<compile_context>
chip_gen: v7x
topology: tpu7x:2x2x1
jax: 0.10.2.dev20260603
libtpu: 0.0.44.dev20260713+nightly
codegen_flags: <defaults>
</compile_context>

<pallas_src>
import functools

import jax
import jax.numpy as jnp
from jax import lax
from jax.experimental import pallas as pl
from jax.experimental.pallas import tpu as pltpu
from jax.experimental.pallas import tpu_sc as plsc

_B = 16384
_NINPUT = 784
_NHIDDEN = 1024
_NLATENT = 32
_NEMB = 8192
_NEMBDIM = 32
_COMMIT = 0.25

_BT_ENC = 256
_BT_DEC = 512

_NC = 2
_NS = 16
_NW = _NC * _NS
_IDX_CHUNK = 128

_DN_NN = (((1,), (0,)), ((), ()))
_DN_TN = (((0,), (0,)), ((), ()))


def _enc_vq_body(xt_ref, w1t_ref, b1_ref, w2t_ref, b2_ref, w3t_ref, b3_ref,
                 et_ref, z_ref, idx_ref, e2_ref):
    @pl.when(pl.program_id(0) == 0)
    def _():
        e0 = et_ref[...]
        e2_ref[...] = jnp.sum(e0 * e0, axis=0, keepdims=True)

    h = lax.dot_general(xt_ref[...], w1t_ref[...], _DN_TN,
                        preferred_element_type=jnp.float32)
    h = jnp.maximum(h + b1_ref[...], 0.0)
    h = lax.dot_general(h, w2t_ref[...], _DN_NN,
                        preferred_element_type=jnp.float32)
    h = jnp.maximum(h + b2_ref[...], 0.0)
    z = lax.dot_general(h, w3t_ref[...], _DN_NN,
                        preferred_element_type=jnp.float32) + b3_ref[...]
    z_ref[...] = z
    s = lax.dot_general(z.astype(jnp.bfloat16), et_ref[...].astype(jnp.bfloat16),
                        _DN_NN, preferred_element_type=jnp.float32)
    score = s - e2_ref[...]
    m = jnp.max(score, axis=1, keepdims=True)
    match = (score == m).astype(jnp.float32)
    colsf = lax.broadcasted_iota(jnp.int32, (1, _NEMB), 1).astype(jnp.float32)
    idxf = lax.dot_general(match, colsf, (((1,), (1,)), ((), ())),
                           preferred_element_type=jnp.float32)
    idx_ref[...] = jnp.minimum(idxf, float(_NEMB - 1)).astype(jnp.int32)


def _dec_body(q_ref, z_ref, w4t_ref, b4_ref, w5t_ref, b5_ref, w6t_ref, b6t_ref,
              outt_ref, loss_ref):
    q = q_ref[...]
    z = z_ref[...]
    qst = z + (q - z)
    h = lax.dot_general(qst, w4t_ref[...], _DN_NN,
                        preferred_element_type=jnp.float32)
    h = jnp.maximum(h + b4_ref[...], 0.0)
    h = lax.dot_general(h, w5t_ref[...], _DN_NN,
                        preferred_element_type=jnp.float32)
    h = jnp.maximum(h + b5_ref[...], 0.0)
    ot = lax.dot_general(w6t_ref[...], h, (((0,), (1,)), ((), ())),
                         preferred_element_type=jnp.float32)
    ot = ot + b6t_ref[...]
    outt_ref[...] = 1.0 / (1.0 + jnp.exp(-ot))
    part = jnp.sum((q - z) ** 2, keepdims=True)[:1, :1]
    i = pl.program_id(0)
    loss_ref[...] = jnp.where(i == 0, part, loss_ref[...] + part)


@functools.cache
def _sc_gather_fn(n_rows):
    bpw = n_rows // _NW
    nchunk = bpw // _IDX_CHUNK
    mesh = plsc.VectorSubcoreMesh(core_axis_name="c", subcore_axis_name="s")

    @functools.partial(
        pl.kernel,
        out_type=jax.ShapeDtypeStruct((n_rows, _NEMBDIM), jnp.float32),
        mesh=mesh,
        scratch_types=[
            pltpu.VMEM((nchunk, _IDX_CHUNK), jnp.int32),
            pltpu.VMEM((bpw, _NEMBDIM), jnp.float32),
            pltpu.VMEM_SHARED((_NEMB, _NEMBDIM), jnp.float32),
            pltpu.SemaphoreType.DMA,
        ],
        compiler_params=pltpu.CompilerParams(use_tc_tiling_on_sc=False),
    )
    def _sc_gather(table_hbm, idx_hbm, out_hbm, idx_v, rows_v, e_sh, sem):
        sid = lax.axis_index("s")
        wid = sid * _NC + lax.axis_index("c")
        ept = _NEMB // _NS
        pltpu.sync_copy(table_hbm.at[pl.ds(sid * ept, ept)],
                        e_sh.at[pl.ds(sid * ept, ept)])
        pltpu.sync_copy(idx_hbm.at[wid], idx_v)
        plsc.subcore_barrier()
        cps = []
        for j in range(nchunk):
            cps.append(pltpu.async_copy(
                e_sh.at[idx_v.at[j]],
                rows_v.at[pl.ds(j * _IDX_CHUNK, _IDX_CHUNK)], sem))
        for cp in cps:
            cp.wait()
        pltpu.sync_copy(rows_v, out_hbm.at[pl.ds(wid * bpw, bpw)])

    return _sc_gather


def _enc_call(xt, w1t, b1r, w2t, b2r, w3t, b3r, et):
    n = xt.shape[1]
    nb = n // _BT_ENC
    return pl.pallas_call(
        _enc_vq_body,
        grid=(nb,),
        in_specs=[
            pl.BlockSpec((_NINPUT, _BT_ENC), lambda i: (0, i)),
            pl.BlockSpec((_NINPUT, _NHIDDEN), lambda i: (0, 0)),
            pl.BlockSpec((1, _NHIDDEN), lambda i: (0, 0)),
            pl.BlockSpec((_NHIDDEN, _NHIDDEN), lambda i: (0, 0)),
            pl.BlockSpec((1, _NHIDDEN), lambda i: (0, 0)),
            pl.BlockSpec((_NHIDDEN, _NLATENT), lambda i: (0, 0)),
            pl.BlockSpec((1, _NLATENT), lambda i: (0, 0)),
            pl.BlockSpec((_NEMBDIM, _NEMB), lambda i: (0, 0)),
        ],
        out_specs=[
            pl.BlockSpec((_BT_ENC, _NLATENT), lambda i: (i, 0)),
            pl.BlockSpec((_BT_ENC, 1), lambda i: (i, 0)),
        ],
        out_shape=[
            jax.ShapeDtypeStruct((n, _NLATENT), jnp.float32),
            jax.ShapeDtypeStruct((n, 1), jnp.int32),
        ],
        scratch_shapes=[pltpu.VMEM((1, _NEMB), jnp.float32)],
    )(xt, w1t, b1r, w2t, b2r, w3t, b3r, et)


def _dec_call(qc, zc, w4t, b4r, w5t, b5r, w6, b6c):
    n = qc.shape[0]
    nb = n // _BT_DEC
    return pl.pallas_call(
        _dec_body,
        grid=(nb,),
        in_specs=[
            pl.BlockSpec((_BT_DEC, _NEMBDIM), lambda i: (i, 0)),
            pl.BlockSpec((_BT_DEC, _NLATENT), lambda i: (i, 0)),
            pl.BlockSpec((_NLATENT, _NHIDDEN), lambda i: (0, 0)),
            pl.BlockSpec((1, _NHIDDEN), lambda i: (0, 0)),
            pl.BlockSpec((_NHIDDEN, _NHIDDEN), lambda i: (0, 0)),
            pl.BlockSpec((1, _NHIDDEN), lambda i: (0, 0)),
            pl.BlockSpec((_NHIDDEN, _NINPUT), lambda i: (0, 0)),
            pl.BlockSpec((_NINPUT, 1), lambda i: (0, 0)),
        ],
        out_specs=[
            pl.BlockSpec((_NINPUT, _BT_DEC), lambda i: (0, i)),
            pl.BlockSpec((1, 1), lambda i: (0, 0)),
        ],
        out_shape=[
            jax.ShapeDtypeStruct((_NINPUT, n), jnp.float32),
            jax.ShapeDtypeStruct((1, 1), jnp.float32),
        ],
    )(qc, zc, w4t, b4r, w5t, b5r, w6, b6c)


def kernel(x, W1, b1, W2, b2, W3, b3, E, W4, b4, W5, b5, W6, b6):
    xt = x.T
    b1r, b2r, b3r = b1[None, :], b2[None, :], b3[None, :]
    b4r, b5r = b4[None, :], b5[None, :]
    gather = _sc_gather_fn(_B)
    nchunk = (_B // _NW) // _IDX_CHUNK

    zc, idxc = _enc_call(xt, W1.T, b1r, W2.T, b2r, W3.T, b3r, E.T)
    qc = gather(E, idxc.reshape(_NW, nchunk, _IDX_CHUNK))
    outt, lsum = _dec_call(qc, zc, W4.T, b4r, W5.T, b5r, W6.T, b6[:, None])
    scale = (1.0 + _COMMIT) / (_B * _NLATENT)
    loss = (lsum[0, 0] * scale).reshape(())
    return (outt.T, loss)

# --- scband reference (transcript-rebuilt; emitter-appended) ---
"""Pipeline reference for scband-vq-vae-32323923870349 (READ-ONLY COPY).

The authoritative reference and input builder live on the scoring server;
editing this copy changes nothing except your own understanding.
"""

import jax, jax.numpy as jnp
import numpy as np

B = 16384
NINPUT = 784
NHIDDEN = 1024
NLATENT = 32
NEMB = 8192
NEMBDIM = 32
COMMIT_COST = 0.25


def _linear_params(key, out_d, in_d):
    bound = 1.0 / np.sqrt(in_d)
    kw, kb = jax.random.split(key)
    W = jax.random.uniform(kw, (out_d, in_d), minval=-bound, maxval=bound, dtype=jnp.float32)
    b = jax.random.uniform(kb, (out_d,), minval=-bound, maxval=bound, dtype=jnp.float32)
    return W, b


def setup_inputs(seed: int = 0) -> dict:
    key = jax.random.key(seed)
    ks = jax.random.split(key, 9)
    x = jax.random.uniform(ks[0], (B, NINPUT), dtype=jnp.float32)
    W1, b1 = _linear_params(ks[1], NHIDDEN, NINPUT)
    W2, b2 = _linear_params(ks[2], NHIDDEN, NHIDDEN)
    W3, b3 = _linear_params(ks[3], NLATENT, NHIDDEN)
    E = jax.random.uniform(ks[4], (NEMB, NEMBDIM), minval=-1.0 / NEMB, maxval=1.0 / NEMB, dtype=jnp.float32)
    W4, b4 = _linear_params(ks[5], NHIDDEN, NLATENT)
    W5, b5 = _linear_params(ks[6], NHIDDEN, NHIDDEN)
    W6, b6 = _linear_params(ks[7], NINPUT, NHIDDEN)
    return {"x": x, "W1": W1, "b1": b1, "W2": W2, "b2": b2, "W3": W3, "b3": b3,
            "E": E, "W4": W4, "b4": b4, "W5": W5, "b5": b5, "W6": W6, "b6": b6}


def reference(x, W1, b1, W2, b2, W3, b3, E, W4, b4, W5, b5, W6, b6):
    # encoder (eval mode: dropout is identity)
    h = jax.nn.relu(x @ W1.T + b1)
    h = jax.nn.relu(h @ W2.T + b2)
    z = h @ W3.T + b3
    # VQ codebook
    flat = z.reshape(-1, NEMBDIM)
    distances = (jnp.sum(flat ** 2, axis=1, keepdims=True)
                 + jnp.sum(E ** 2, axis=1)
                 - flat @ E.T)
    idx = jnp.argmin(distances, axis=1)
    encodings = jnp.zeros((idx.shape[0], NEMB), dtype=jnp.float32).at[jnp.arange(idx.shape[0]), idx].set(1.0)
    quantized = (encodings @ E).reshape(z.shape)
    code_loss = jnp.mean((quantized - jax.lax.stop_gradient(z)) ** 2)
    commit_loss = jnp.mean((jax.lax.stop_gradient(quantized) - z) ** 2)
    loss = code_loss + COMMIT_COST * commit_loss
    quantized_st = z + jax.lax.stop_gradient(quantized - z)
    # decoder (eval mode)
    h2 = jax.nn.relu(quantized_st @ W4.T + b4)
    h2 = jax.nn.relu(h2 @ W5.T + b5)
    out = jax.nn.sigmoid(h2 @ W6.T + b6)
    return (out, loss)

if __name__ == "__main__":
    import jax
    _d = setup_inputs()
    print(jax.jit(kernel)(*tuple(_d.values())))

</pallas_src>

<mosaic_0001>
#map = affine_map<(d0, d1) -> (0, 0)>
#map1 = affine_map<(d0, d1) -> (0, 0, 0)>
module attributes {stable_mosaic.version = 14 : i64} {
  func.func @_sc_gather(%arg0: i32, %arg1: i32, %arg2: memref<8192x32xf32, #tpu.memory_space<hbm>>, %arg3: memref<32x4x128xi32, #tpu.memory_space<hbm>>, %arg4: memref<16384x32xf32, #tpu.memory_space<hbm>>, %arg5: memref<4x128xi32, #tpu.memory_space<vmem>>, %arg6: memref<512x32xf32, #tpu.memory_space<vmem>>, %arg7: memref<8192x32xf32, #tpu.memory_space<vmem_shared>>, %arg8: memref<!tpu.dma_semaphore, #tpu.memory_space<semaphore_mem>>) attributes {dimension_semantics = [#tpu.dimension_semantics<core_parallel>, #tpu.dimension_semantics<subcore_parallel>], iteration_bounds = array<i64: 2, 16>, scalar_prefetch = 0 : i64, scratch_operands = 4 : i64, tpu.core_type = #tpu.core_type<sc_vector_subcore>, window_params = [{transform_indices = #map}, {transform_indices = #map1}, {transform_indices = #map}]} {
    %mul3A = arith.constant 2 : i32
    %mul3A_0 = arith.muli %arg1, %mul3A : i32
    %add3A = arith.addi %mul3A_0, %arg0 : i32
    %mul3A_1 = arith.constant 512 : i32
    %mul3A_2 = arith.muli %arg1, %mul3A_1 : i32
    %mul3A_3 = arith.constant 512 : i32
    %mul3A_4 = arith.muli %arg1, %mul3A_3 : i32
    "tpu.region"() ({
      %run_scoped3A = tpu.sem_alloc : memref<!tpu.dma_semaphore, #tpu.memory_space<semaphore_mem>>
      %dma_start3A_85 = arith.constant 0 : i32
      %dma_start3A_86 = tpu.memref_slice %arg7[%mul3A_4, %dma_start3A_85] : memref<8192x32xf32, #tpu.memory_space<vmem_shared>> -> memref<512x32xf32, #tpu.memory_space<vmem_shared>>
      %dma_start3A_87 = arith.constant 0 : i32
      %dma_start3A_88 = tpu.memref_slice %arg2[%mul3A_2, %dma_start3A_87] : memref<8192x32xf32, #tpu.memory_space<hbm>> -> memref<512x32xf32, #tpu.memory_space<hbm>>
      tpu.enqueue_dma source(%dma_start3A_88 : memref<512x32xf32, #tpu.memory_space<hbm>>) target(%dma_start3A_86 : memref<512x32xf32, #tpu.memory_space<vmem_shared>>) target_semaphore(%run_scoped3A : memref<!tpu.dma_semaphore, #tpu.memory_space<semaphore_mem>>)
      %dma_wait3A_89 = arith.constant 0 : i32
      %dma_wait3A_90 = tpu.memref_slice %arg7[%mul3A_4, %dma_wait3A_89] : memref<8192x32xf32, #tpu.memory_space<vmem_shared>> -> memref<512x32xf32, #tpu.memory_space<vmem_shared>>
      %dma_wait3A_91 = arith.constant 0 : i32
      %dma_wait3A_92 = tpu.memref_slice %arg2[%mul3A_2, %dma_wait3A_91] : memref<8192x32xf32, #tpu.memory_space<hbm>> -> memref<512x32xf32, #tpu.memory_space<hbm>>
      tpu.wait_dma2 semaphore(%run_scoped3A : memref<!tpu.dma_semaphore, #tpu.memory_space<semaphore_mem>>) src(%dma_wait3A_92 : memref<512x32xf32, #tpu.memory_space<hbm>>) dst(%dma_wait3A_90 : memref<512x32xf32, #tpu.memory_space<vmem_shared>>)
      tpu.yield
    }) : () -> ()
    "tpu.region"() ({
      %run_scoped3A = tpu.sem_alloc : memref<!tpu.dma_semaphore, #tpu.memory_space<semaphore_mem>>
      %dma_start3A_85 = arith.constant 0 : i32
      %dma_start3A_86 = arith.constant 0 : i32
      %dma_start3A_87 = tpu.memref_slice %arg3[%add3A, %dma_start3A_85, %dma_start3A_86] : memref<32x4x128xi32, #tpu.memory_space<hbm>> -> memref<1x4x128xi32, #tpu.memory_space<hbm>>
      %dma_start3A_88 = tpu.memref_squeeze %dma_start3A_87 : memref<1x4x128xi32, #tpu.memory_space<hbm>> -> memref<4x128xi32, #tpu.memory_space<hbm>>
      %dma_start3A_89 = arith.constant 0 : i32
      %dma_start3A_90 = arith.constant 0 : i32
      %dma_start3A_91 = tpu.memref_slice %arg3[%add3A, %dma_start3A_89, %dma_start3A_90] : memref<32x4x128xi32, #tpu.memory_space<hbm>> -> memref<1x4x128xi32, #tpu.memory_space<hbm>>
      %dma_start3A_92 = tpu.memref_squeeze %dma_start3A_91 : memref<1x4x128xi32, #tpu.memory_space<hbm>> -> memref<4x128xi32, #tpu.memory_space<hbm>>
      tpu.enqueue_dma source(%dma_start3A_92 : memref<4x128xi32, #tpu.memory_space<hbm>>) target(%arg5 : memref<4x128xi32, #tpu.memory_space<vmem>>) target_semaphore(%run_scoped3A : memref<!tpu.dma_semaphore, #tpu.memory_space<semaphore_mem>>)
      %dma_wait3A_93 = arith.constant 0 : i32
      %dma_wait3A_94 = arith.constant 0 : i32
      %dma_wait3A_95 = tpu.memref_slice %arg3[%add3A, %dma_wait3A_93, %dma_wait3A_94] : memref<32x4x128xi32, #tpu.memory_space<hbm>> -> memref<1x4x128xi32, #tpu.memory_space<hbm>>
      %dma_wait3A_96 = tpu.memref_squeeze %dma_wait3A_95 : memref<1x4x128xi32, #tpu.memory_space<hbm>> -> memref<4x128xi32, #tpu.memory_space<hbm>>
      %dma_wait3A_97 = arith.constant 0 : i32
      %dma_wait3A_98 = arith.constant 0 : i32
      %dma_wait3A_99 = tpu.memref_slice %arg3[%add3A, %dma_wait3A_97, %dma_wait3A_98] : memref<32x4x128xi32, #tpu.memory_space<hbm>> -> memref<1x4x128xi32, #tpu.memory_space<hbm>>
      %dma_wait3A_100 = tpu.memref_squeeze %dma_wait3A_99 : memref<1x4x128xi32, #tpu.memory_space<hbm>> -> memref<4x128xi32, #tpu.memory_space<hbm>>
      tpu.wait_dma2 semaphore(%run_scoped3A : memref<!tpu.dma_semaphore, #tpu.memory_space<semaphore_mem>>) src(%dma_wait3A_100 : memref<4x128xi32, #tpu.memory_space<hbm>>) dst(%arg5 : memref<4x128xi32, #tpu.memory_space<vmem>>)
      tpu.yield
    }) : () -> ()
    %barrier3A = arith.constant 0 : index
    tpu.barrier barrier_id(%barrier3A)
    %dma_start3A = arith.constant 0 : i32
    %dma_start3A_5 = arith.constant 0 : i32
    %dma_start3A_6 = arith.constant 0 : i32
    %dma_start3A_7 = tpu.memref_slice %arg6[%dma_start3A_5, %dma_start3A_6] : memref<512x32xf32, #tpu.memory_space<vmem>> -> memref<128x32xf32, #tpu.memory_space<vmem>>
    %dma_start3A_8 = arith.constant 0 : i32
    %dma_start3A_9 = tpu.memref_slice %arg5[%dma_start3A, %dma_start3A_8] : memref<4x128xi32, #tpu.memory_space<vmem>> -> memref<1x128xi32, #tpu.memory_space<vmem>>
    %dma_start3A_10 = tpu.memref_squeeze %dma_start3A_9 : memref<1x128xi32, #tpu.memory_space<vmem>> -> memref<128xi32, #tpu.memory_space<vmem>>
    %dma_start3A_11 = arith.constant 0 : i32
    %dma_start3A_12 = arith.constant 0 : i32
    %dma_start3A_13 = tpu.memref_slice %arg7[%dma_start3A_11, %dma_start3A_12] : memref<8192x32xf32, #tpu.memory_space<vmem_shared>> -> memref<8192x32xf32, #tpu.memory_space<vmem_shared>>
    tpu.enqueue_indirect_dma source(%dma_start3A_13 : memref<8192x32xf32, #tpu.memory_space<vmem_shared>>) target(%dma_start3A_7 : memref<128x32xf32, #tpu.memory_space<vmem>>) offsets(%dma_start3A_10 : memref<128xi32, #tpu.memory_space<vmem>>) semaphore(%arg8 : memref<!tpu.dma_semaphore, #tpu.memory_space<semaphore_mem>>)
    %dma_start3A_14 = arith.constant 1 : i32
    %dma_start3A_15 = arith.constant 128 : i32
    %dma_start3A_16 = arith.constant 0 : i32
    %dma_start3A_17 = tpu.memref_slice %arg6[%dma_start3A_15, %dma_start3A_16] : memref<512x32xf32, #tpu.memory_space<vmem>> -> memref<128x32xf32, #tpu.memory_space<vmem>>
    %dma_start3A_18 = arith.constant 0 : i32
    %dma_start3A_19 = tpu.memref_slice %arg5[%dma_start3A_14, %dma_start3A_18] : memref<4x128xi32, #tpu.memory_space<vmem>> -> memref<1x128xi32, #tpu.memory_space<vmem>>
    %dma_start3A_20 = tpu.memref_squeeze %dma_start3A_19 : memref<1x128xi32, #tpu.memory_space<vmem>> -> memref<128xi32, #tpu.memory_space<vmem>>
    %dma_start3A_21 = arith.constant 0 : i32
    %dma_start3A_22 = arith.constant 0 : i32
    %dma_start3A_23 = tpu.memref_slice %arg7[%dma_start3A_21, %dma_start3A_22] : memref<8192x32xf32, #tpu.memory_space<vmem_shared>> -> memref<8192x32xf32, #tpu.memory_space<vmem_shared>>
    tpu.enqueue_indirect_dma source(%dma_start3A_23 : memref<8192x32xf32, #tpu.memory_space<vmem_shared>>) target(%dma_start3A_17 : memref<128x32xf32, #tpu.memory_space<vmem>>) offsets(%dma_start3A_20 : memref<128xi32, #tpu.memory_space<vmem>>) semaphore(%arg8 : memref<!tpu.dma_semaphore, #tpu.memory_space<semaphore_mem>>)
    %dma_start3A_24 = arith.constant 2 : i32
    %dma_start3A_25 = arith.constant 256 : i32
    %dma_start3A_26 = arith.constant 0 : i32
    %dma_start3A_27 = tpu.memref_slice %arg6[%dma_start3A_25, %dma_start3A_26] : memref<512x32xf32, #tpu.memory_space<vmem>> -> memref<128x32xf32, #tpu.memory_space<vmem>>
    %dma_start3A_28 = arith.constant 0 : i32
    %dma_start3A_29 = tpu.memref_slice %arg5[%dma_start3A_24, %dma_start3A_28] : memref<4x128xi32, #tpu.memory_space<vmem>> -> memref<1x128xi32, #tpu.memory_space<vmem>>
    %dma_start3A_30 = tpu.memref_squeeze %dma_start3A_29 : memref<1x128xi32, #tpu.memory_space<vmem>> -> memref<128xi32, #tpu.memory_space<vmem>>
    %dma_start3A_31 = arith.constant 0 : i32
    %dma_start3A_32 = arith.constant 0 : i32
    %dma_start3A_33 = tpu.memref_slice %arg7[%dma_start3A_31, %dma_start3A_32] : memref<8192x32xf32, #tpu.memory_space<vmem_shared>> -> memref<8192x32xf32, #tpu.memory_space<vmem_shared>>
    tpu.enqueue_indirect_dma source(%dma_start3A_33 : memref<8192x32xf32, #tpu.memory_space<vmem_shared>>) target(%dma_start3A_27 : memref<128x32xf32, #tpu.memory_space<vmem>>) offsets(%dma_start3A_30 : memref<128xi32, #tpu.memory_space<vmem>>) semaphore(%arg8 : memref<!tpu.dma_semaphore, #tpu.memory_space<semaphore_mem>>)
    %dma_start3A_34 = arith.constant 3 : i32
    %dma_start3A_35 = arith.constant 384 : i32
    %dma_start3A_36 = arith.constant 0 : i32
    %dma_start3A_37 = tpu.memref_slice %arg6[%dma_start3A_35, %dma_start3A_36] : memref<512x32xf32, #tpu.memory_space<vmem>> -> memref<128x32xf32, #tpu.memory_space<vmem>>
    %dma_start3A_38 = arith.constant 0 : i32
    %dma_start3A_39 = tpu.memref_slice %arg5[%dma_start3A_34, %dma_start3A_38] : memref<4x128xi32, #tpu.memory_space<vmem>> -> memref<1x128xi32, #tpu.memory_space<vmem>>
    %dma_start3A_40 = tpu.memref_squeeze %dma_start3A_39 : memref<1x128xi32, #tpu.memory_space<vmem>> -> memref<128xi32, #tpu.memory_space<vmem>>
    %dma_start3A_41 = arith.constant 0 : i32
    %dma_start3A_42 = arith.constant 0 : i32
    %dma_start3A_43 = tpu.memref_slice %arg7[%dma_start3A_41, %dma_start3A_42] : memref<8192x32xf32, #tpu.memory_space<vmem_shared>> -> memref<8192x32xf32, #tpu.memory_space<vmem_shared>>
    tpu.enqueue_indirect_dma source(%dma_start3A_43 : memref<8192x32xf32, #tpu.memory_space<vmem_shared>>) target(%dma_start3A_37 : memref<128x32xf32, #tpu.memory_space<vmem>>) offsets(%dma_start3A_40 : memref<128xi32, #tpu.memory_space<vmem>>) semaphore(%arg8 : memref<!tpu.dma_semaphore, #tpu.memory_space<semaphore_mem>>)
    %dma_wait3A = arith.constant 0 : i32
    %dma_wait3A_44 = arith.constant 0 : i32
    %dma_wait3A_45 = arith.constant 0 : i32
    %dma_wait3A_46 = tpu.memref_slice %arg6[%dma_wait3A_44, %dma_wait3A_45] : memref<512x32xf32, #tpu.memory_space<vmem>> -> memref<128x32xf32, #tpu.memory_space<vmem>>
    %dma_wait3A_47 = arith.constant 0 : i32
    %dma_wait3A_48 = tpu.memref_slice %arg5[%dma_wait3A, %dma_wait3A_47] : memref<4x128xi32, #tpu.memory_space<vmem>> -> memref<1x128xi32, #tpu.memory_space<vmem>>
    %dma_wait3A_49 = tpu.memref_squeeze %dma_wait3A_48 : memref<1x128xi32, #tpu.memory_space<vmem>> -> memref<128xi32, #tpu.memory_space<vmem>>
    %dma_wait3A_50 = arith.constant 0 : i32
    %dma_wait3A_51 = arith.constant 0 : i32
    %dma_wait3A_52 = tpu.memref_slice %arg7[%dma_wait3A_50, %dma_wait3A_51] : memref<8192x32xf32, #tpu.memory_space<vmem_shared>> -> memref<8192x32xf32, #tpu.memory_space<vmem_shared>>
    tpu.wait_indirect_dma semaphore(%arg8 : memref<!tpu.dma_semaphore, #tpu.memory_space<semaphore_mem>>) src(%dma_wait3A_52 : memref<8192x32xf32, #tpu.memory_space<vmem_shared>>) dst(%dma_wait3A_46 : memref<128x32xf32, #tpu.memory_space<vmem>>)
    %dma_wait3A_53 = arith.constant 1 : i32
    %dma_wait3A_54 = arith.constant 128 : i32
    %dma_wait3A_55 = arith.constant 0 : i32
    %dma_wait3A_56 = tpu.memref_slice %arg6[%dma_wait3A_54, %dma_wait3A_55] : memref<512x32xf32, #tpu.memory_space<vmem>> -> memref<128x32xf32, #tpu.memory_space<vmem>>
    %dma_wait3A_57 = arith.constant 0 : i32
    %dma_wait3A_58 = tpu.memref_slice %arg5[%dma_wait3A_53, %dma_wait3A_57] : memref<4x128xi32, #tpu.memory_space<vmem>> -> memref<1x128xi32, #tpu.memory_space<vmem>>
    %dma_wait3A_59 = tpu.memref_squeeze %dma_wait3A_58 : memref<1x128xi32, #tpu.memory_space<vmem>> -> memref<128xi32, #tpu.memory_space<vmem>>
    %dma_wait3A_60 = arith.constant 0 : i32
    %dma_wait3A_61 = arith.constant 0 : i32
    %dma_wait3A_62 = tpu.memref_slice %arg7[%dma_wait3A_60, %dma_wait3A_61] : memref<8192x32xf32, #tpu.memory_space<vmem_shared>> -> memref<8192x32xf32, #tpu.memory_space<vmem_shared>>
    tpu.wait_indirect_dma semaphore(%arg8 : memref<!tpu.dma_semaphore, #tpu.memory_space<semaphore_mem>>) src(%dma_wait3A_62 : memref<8192x32xf32, #tpu.memory_space<vmem_shared>>) dst(%dma_wait3A_56 : memref<128x32xf32, #tpu.memory_space<vmem>>)
    %dma_wait3A_63 = arith.constant 2 : i32
    %dma_wait3A_64 = arith.constant 256 : i32
    %dma_wait3A_65 = arith.constant 0 : i32
    %dma_wait3A_66 = tpu.memref_slice %arg6[%dma_wait3A_64, %dma_wait3A_65] : memref<512x32xf32, #tpu.memory_space<vmem>> -> memref<128x32xf32, #tpu.memory_space<vmem>>
    %dma_wait3A_67 = arith.constant 0 : i32
    %dma_wait3A_68 = tpu.memref_slice %arg5[%dma_wait3A_63, %dma_wait3A_67] : memref<4x128xi32, #tpu.memory_space<vmem>> -> memref<1x128xi32, #tpu.memory_space<vmem>>
    %dma_wait3A_69 = tpu.memref_squeeze %dma_wait3A_68 : memref<1x128xi32, #tpu.memory_space<vmem>> -> memref<128xi32, #tpu.memory_space<vmem>>
    %dma_wait3A_70 = arith.constant 0 : i32
    %dma_wait3A_71 = arith.constant 0 : i32
    %dma_wait3A_72 = tpu.memref_slice %arg7[%dma_wait3A_70, %dma_wait3A_71] : memref<8192x32xf32, #tpu.memory_space<vmem_shared>> -> memref<8192x32xf32, #tpu.memory_space<vmem_shared>>
    tpu.wait_indirect_dma semaphore(%arg8 : memref<!tpu.dma_semaphore, #tpu.memory_space<semaphore_mem>>) src(%dma_wait3A_72 : memref<8192x32xf32, #tpu.memory_space<vmem_shared>>) dst(%dma_wait3A_66 : memref<128x32xf32, #tpu.memory_space<vmem>>)
    %dma_wait3A_73 = arith.constant 3 : i32
    %dma_wait3A_74 = arith.constant 384 : i32
    %dma_wait3A_75 = arith.constant 0 : i32
    %dma_wait3A_76 = tpu.memref_slice %arg6[%dma_wait3A_74, %dma_wait3A_75] : memref<512x32xf32, #tpu.memory_space<vmem>> -> memref<128x32xf32, #tpu.memory_space<vmem>>
    %dma_wait3A_77 = arith.constant 0 : i32
    %dma_wait3A_78 = tpu.memref_slice %arg5[%dma_wait3A_73, %dma_wait3A_77] : memref<4x128xi32, #tpu.memory_space<vmem>> -> memref<1x128xi32, #tpu.memory_space<vmem>>
    %dma_wait3A_79 = tpu.memref_squeeze %dma_wait3A_78 : memref<1x128xi32, #tpu.memory_space<vmem>> -> memref<128xi32, #tpu.memory_space<vmem>>
    %dma_wait3A_80 = arith.constant 0 : i32
    %dma_wait3A_81 = arith.constant 0 : i32
    %dma_wait3A_82 = tpu.memref_slice %arg7[%dma_wait3A_80, %dma_wait3A_81] : memref<8192x32xf32, #tpu.memory_space<vmem_shared>> -> memref<8192x32xf32, #tpu.memory_space<vmem_shared>>
    tpu.wait_indirect_dma semaphore(%arg8 : memref<!tpu.dma_semaphore, #tpu.memory_space<semaphore_mem>>) src(%dma_wait3A_82 : memref<8192x32xf32, #tpu.memory_space<vmem_shared>>) dst(%dma_wait3A_76 : memref<128x32xf32, #tpu.memory_space<vmem>>)
    %mul3A_83 = arith.constant 512 : i32
    %mul3A_84 = arith.muli %add3A, %mul3A_83 : i32
    "tpu.region"() ({
      %run_scoped3A = tpu.sem_alloc : memref<!tpu.dma_semaphore, #tpu.memory_space<semaphore_mem>>
      %dma_start3A_85 = arith.constant 0 : i32
      %dma_start3A_86 = tpu.memref_slice %arg4[%mul3A_84, %dma_start3A_85] : memref<16384x32xf32, #tpu.memory_space<hbm>> -> memref<512x32xf32, #tpu.memory_space<hbm>>
      %dma_start3A_87 = arith.constant 0 : i32
      %dma_start3A_88 = tpu.memref_slice %arg4[%mul3A_84, %dma_start3A_87] : memref<16384x32xf32, #tpu.memory_space<hbm>> -> memref<512x32xf32, #tpu.memory_space<hbm>>
      tpu.enqueue_dma source(%arg6 : memref<512x32xf32, #tpu.memory_space<vmem>>) target(%dma_start3A_88 : memref<512x32xf32, #tpu.memory_space<hbm>>) target_semaphore(%run_scoped3A : memref<!tpu.dma_semaphore, #tpu.memory_space<semaphore_mem>>)
      %dma_wait3A_89 = arith.constant 0 : i32
      %dma_wait3A_90 = tpu.memref_slice %arg4[%mul3A_84, %dma_wait3A_89] : memref<16384x32xf32, #tpu.memory_space<hbm>> -> memref<512x32xf32, #tpu.memory_space<hbm>>
      %dma_wait3A_91 = arith.constant 0 : i32
      %dma_wait3A_92 = tpu.memref_slice %arg4[%mul3A_84, %dma_wait3A_91] : memref<16384x32xf32, #tpu.memory_space<hbm>> -> memref<512x32xf32, #tpu.memory_space<hbm>>
      tpu.wait_dma2 semaphore(%run_scoped3A : memref<!tpu.dma_semaphore, #tpu.memory_space<semaphore_mem>>) src(%arg6 : memref<512x32xf32, #tpu.memory_space<vmem>>) dst(%dma_wait3A_92 : memref<512x32xf32, #tpu.memory_space<hbm>>)
      tpu.yield
    }) : () -> ()
    return
  }
}

module attributes {stable_mosaic.version = 14 : i64} {
  func.func @_enc_vq_body(%arg0: i32, %arg1: memref<784x256xf32, #tpu.memory_space<vmem>>, %arg2: memref<784x1024xf32, #tpu.memory_space<vmem>>, %arg3: memref<1x1024xf32, #tpu.memory_space<vmem>>, %arg4: memref<1024x1024xf32, #tpu.memory_space<vmem>>, %arg5: memref<1x1024xf32, #tpu.memory_space<vmem>>, %arg6: memref<1024x32xf32, #tpu.memory_space<vmem>>, %arg7: memref<1x32xf32, #tpu.memory_space<vmem>>, %arg8: memref<32x8192xf32, #tpu.memory_space<vmem>>, %arg9: memref<256x32xf32, #tpu.memory_space<vmem>>, %arg10: memref<256x1xi32, #tpu.memory_space<vmem>>, %arg11: memref<1x8192xf32, #tpu.memory_space<vmem>>) attributes {dimension_semantics = [#tpu.dimension_semantics<arbitrary>], iteration_bounds = array<i64: 64>, scalar_prefetch = 0 : i64, scratch_operands = 1 : i64, tpu.core_type = #tpu.core_type<tc>, window_params = [{transform_indices = @transform_0, window_bounds = array<i64: 784, 256>}, {pipeline_mode = #tpu.pipeline_mode<synchronous>, transform_indices = @transform_1, window_bounds = array<i64: 784, 1024>}, {pipeline_mode = #tpu.pipeline_mode<synchronous>, transform_indices = @transform_2, window_bounds = array<i64: 1, 1024>}, {pipeline_mode = #tpu.pipeline_mode<synchronous>, transform_indices = @transform_3, window_bounds = array<i64: 1024, 1024>}, {pipeline_mode = #tpu.pipeline_mode<synchronous>, transform_indices = @transform_4, window_bounds = array<i64: 1, 1024>}, {pipeline_mode = #tpu.pipeline_mode<synchronous>, transform_indices = @transform_5, window_bounds = array<i64: 1024, 32>}, {pipeline_mode = #tpu.pipeline_mode<synchronous>, transform_indices = @transform_6, window_bounds = array<i64: 1, 32>}, {pipeline_mode = #tpu.pipeline_mode<synchronous>, transform_indices = @transform_7, window_bounds = array<i64: 32, 8192>}, {transform_indices = @transform_8, window_bounds = array<i64: 256, 32>}, {transform_indices = @transform_9, window_bounds = array<i64: 256, 1>}]} {
    %eq3A = arith.constant 0 : i32
    %eq3A_0 = arith.cmpi eq, %arg0, %eq3A : i32
    %convert_element_type3A = arith.extui %eq3A_0 : i1 to i32
    %cond3A = arith.constant 0 : i32
    %cond3A_1 = arith.cmpi ne, %convert_element_type3A, %cond3A : i32
    scf.if %cond3A_1 {
      %get3A_64 = arith.constant 0 : index
      %get3A_65 = arith.constant 0 : index
      %get3A_66 = vector.load %arg8[%get3A_64, %get3A_65] : memref<32x8192xf32, #tpu.memory_space<vmem>>, vector<32x8192xf32>
      %mul3A = arith.mulf %get3A_66, %get3A_66 : vector<32x8192xf32>
      %reduce_sum3A = arith.constant dense<0.000000e+00> : vector<8192xf32>
      %reduce_sum3A_67 = vector.multi_reduction <add>, %mul3A, %reduce_sum3A [0] : vector<32x8192xf32> to vector<8192xf32>
      %broadcast_in_dim3A_68 = vector.shape_cast %reduce_sum3A_67 : vector<8192xf32> to vector<1x8192xf32>
      %swap3A_69 = arith.constant 0 : index
      %swap3A_70 = arith.constant 0 : index
      %swap3A_71 = vector.load %arg11[%swap3A_69, %swap3A_70] : memref<1x8192xf32, #tpu.memory_space<vmem>>, vector<1x8192xf32>
      tpu.vector_store %arg11[%swap3A_69, %swap3A_70], %broadcast_in_dim3A_68 {strides = array<i32>} : memref<1x8192xf32, #tpu.memory_space<vmem>>, vector<1x8192xf32>,
    } else {
    }
    %get3A = arith.constant 0 : index
    %get3A_2 = arith.constant 0 : index
    %get3A_3 = vector.load %arg1[%get3A, %get3A_2] : memref<784x256xf32, #tpu.memory_space<vmem>>, vector<784x256xf32>
    %get3A_4 = arith.constant 0 : index
    %get3A_5 = arith.constant 0 : index
    %get3A_6 = vector.load %arg2[%get3A_4, %get3A_5] : memref<784x1024xf32, #tpu.memory_space<vmem>>, vector<784x1024xf32>
    %dot_general3A = arith.constant dense<0.000000e+00> : vector<256x1024xf32>
    %dot_general3A_7 = tpu.matmul %get3A_3, %get3A_6, %dot_general3A {dimension_numbers = #tpu.dot_dimension_numbers<[0], [0], [1], [1], [0, 1, 1, 1], [], []>, transpose_lhs_hint = false} : vector<784x256xf32>, vector<784x1024xf32>, vector<256x1024xf32> -> vector<256x1024xf32>
    %get3A_8 = arith.constant 0 : index
    %get3A_9 = arith.constant 0 : index
    %get3A_10 = vector.load %arg3[%get3A_8, %get3A_9] : memref<1x1024xf32, #tpu.memory_space<vmem>>, vector<1x1024xf32>
    %add3A = vector.broadcast %get3A_10 : vector<1x1024xf32> to vector<256x1024xf32>
    %add3A_11 = arith.addf %dot_general3A_7, %add3A : vector<256x1024xf32>
    %max3A = arith.constant 0.000000e+00 : f32
    %max3A_12 = vector.broadcast %max3A : f32 to vector<256x1024xf32>
    %max3A_13 = arith.maximumf %add3A_11, %max3A_12 : vector<256x1024xf32>
    %get3A_14 = arith.constant 0 : index
    %get3A_15 = arith.constant 0 : index
    %get3A_16 = vector.load %arg4[%get3A_14, %get3A_15] : memref<1024x1024xf32, #tpu.memory_space<vmem>>, vector<1024x1024xf32>
    %dot_general3A_17 = arith.constant dense<0.000000e+00> : vector<256x1024xf32>
    %dot_general3A_18 = tpu.matmul %max3A_13, %get3A_16, %dot_general3A_17 {dimension_numbers = #tpu.dot_dimension_numbers<[1], [0], [0], [1], [0, 0, 1, 1], [], []>, transpose_lhs_hint = false} : vector<256x1024xf32>, vector<1024x1024xf32>, vector<256x1024xf32> -> vector<256x1024xf32>
    %get3A_19 = arith.constant 0 : index
    %get3A_20 = arith.constant 0 : index
    %get3A_21 = vector.load %arg5[%get3A_19, %get3A_20] : memref<1x1024xf32, #tpu.memory_space<vmem>>, vector<1x1024xf32>
    %add3A_22 = vector.broadcast %get3A_21 : vector<1x1024xf32> to vector<256x1024xf32>
    %add3A_23 = arith.addf %dot_general3A_18, %add3A_22 : vector<256x1024xf32>
    %max3A_24 = arith.constant 0.000000e+00 : f32
    %max3A_25 = vector.broadcast %max3A_24 : f32 to vector<256x1024xf32>
    %max3A_26 = arith.maximumf %add3A_23, %max3A_25 : vector<256x1024xf32>
    %get3A_27 = arith.constant 0 : index
    %get3A_28 = arith.constant 0 : index
    %get3A_29 = vector.load %arg6[%get3A_27, %get3A_28] : memref<1024x32xf32, #tpu.memory_space<vmem>>, vector<1024x32xf32>
    %dot_general3A_30 = arith.constant dense<0.000000e+00> : vector<256x32xf32>
    %dot_general3A_31 = tpu.matmul %max3A_26, %get3A_29, %dot_general3A_30 {dimension_numbers = #tpu.dot_dimension_numbers<[1], [0], [0], [1], [0, 0, 1, 1], [], []>, transpose_lhs_hint = false} : vector<256x1024xf32>, vector<1024x32xf32>, vector<256x32xf32> -> vector<256x32xf32>
    %get3A_32 = arith.constant 0 : index
    %get3A_33 = arith.constant 0 : index
    %get3A_34 = vector.load %arg7[%get3A_32, %get3A_33] : memref<1x32xf32, #tpu.memory_space<vmem>>, vector<1x32xf32>
    %add3A_35 = vector.broadcast %get3A_34 : vector<1x32xf32> to vector<256x32xf32>
    %add3A_36 = arith.addf %dot_general3A_31, %add3A_35 : vector<256x32xf32>
    %swap3A = arith.constant 0 : index
    %swap3A_37 = arith.constant 0 : index
    %swap3A_38 = vector.load %arg9[%swap3A, %swap3A_37] : memref<256x32xf32, #tpu.memory_space<vmem>>, vector<256x32xf32>
    tpu.vector_store %arg9[%swap3A, %swap3A_37], %add3A_36 {strides = array<i32>} : memref<256x32xf32, #tpu.memory_space<vmem>>, vector<256x32xf32>,
    %convert_element_type3A_39 = arith.truncf %add3A_36 : vector<256x32xf32> to vector<256x32xbf16>
    %get3A_40 = arith.constant 0 : index
    %get3A_41 = arith.constant 0 : index
    %get3A_42 = vector.load %arg8[%get3A_40, %get3A_41] : memref<32x8192xf32, #tpu.memory_space<vmem>>, vector<32x8192xf32>
    %convert_element_type3A_43 = arith.truncf %get3A_42 : vector<32x8192xf32> to vector<32x8192xbf16>
    %dot_general3A_44 = arith.constant dense<0.000000e+00> : vector<256x8192xf32>
    %dot_general3A_45 = tpu.matmul %convert_element_type3A_39, %convert_element_type3A_43, %dot_general3A_44 {dimension_numbers = #tpu.dot_dimension_numbers<[1], [0], [0], [1], [0, 0, 1, 1], [], []>, transpose_lhs_hint = false} : vector<256x32xbf16>, vector<32x8192xbf16>, vector<256x8192xf32> -> vector<256x8192xf32>
    %get3A_46 = arith.constant 0 : index
    %get3A_47 = arith.constant 0 : index
    %get3A_48 = vector.load %arg11[%get3A_46, %get3A_47] : memref<1x8192xf32, #tpu.memory_space<vmem>>, vector<1x8192xf32>
    %sub3A = vector.broadcast %get3A_48 : vector<1x8192xf32> to vector<256x8192xf32>
    %sub3A_49 = arith.subf %dot_general3A_45, %sub3A : vector<256x8192xf32>
    %reduce_max3A = arith.constant dense<0xFF800000> : vector<256xf32>
    %reduce_max3A_50 = vector.multi_reduction <maximumf>, %sub3A_49, %reduce_max3A [1] : vector<256x8192xf32> to vector<256xf32>
    %broadcast_in_dim3A = vector.shape_cast %reduce_max3A_50 : vector<256xf32> to vector<256x1xf32>
    %eq3A_51 = vector.broadcast %broadcast_in_dim3A : vector<256x1xf32> to vector<256x8192xf32>
    %eq3A_52 = arith.cmpf oeq, %sub3A_49, %eq3A_51 : vector<256x8192xf32>
    %convert_element_type3A_53 = arith.extui %eq3A_52 : vector<256x8192xi1> to vector<256x8192xi32>
    %convert_element_type3A_54 = arith.sitofp %convert_element_type3A_53 : vector<256x8192xi32> to vector<256x8192xf32>
    %iota3A = tpu.iota {dimensions = array<i32: 1>} : vector<1x8192xi32>
    %convert_element_type3A_55 = arith.sitofp %iota3A : vector<1x8192xi32> to vector<1x8192xf32>
    %dot_general3A_56 = arith.constant dense<0.000000e+00> : vector<256x1xf32>
    %dot_general3A_57 = tpu.matmul %convert_element_type3A_54, %convert_element_type3A_55, %dot_general3A_56 {dimension_numbers = #tpu.dot_dimension_numbers<[1], [1], [0], [0], [0, 0, 1, 0], [], []>, transpose_lhs_hint = false} : vector<256x8192xf32>, vector<1x8192xf32>, vector<256x1xf32> -> vector<256x1xf32>
    %min3A = arith.constant 8.191000e+03 : f32
    %min3A_58 = vector.broadcast %min3A : f32 to vector<256x1xf32>
    %min3A_59 = arith.minimumf %dot_general3A_57, %min3A_58 : vector<256x1xf32>
    %convert_element_type3A_60 = arith.fptosi %min3A_59 : vector<256x1xf32> to vector<256x1xi32>
    %swap3A_61 = arith.constant 0 : index
    %swap3A_62 = arith.constant 0 : index
    %swap3A_63 = vector.load %arg10[%swap3A_61, %swap3A_62] : memref<256x1xi32, #tpu.memory_space<vmem>>, vector<256x1xi32>
    tpu.vector_store %arg10[%swap3A_61, %swap3A_62], %convert_element_type3A_60 {strides = array<i32>} : memref<256x1xi32, #tpu.memory_space<vmem>>, vector<256x1xi32>,
    return
  }
  func.func @transform_0(%arg0: i32) -> (i32, i32) {
    %c0_i32 = arith.constant 0 : i32
    %c0_i32_0 = arith.constant 0 : i32
    return %c0_i32, %arg0 : i32, i32
  }
  func.func @transform_1(%arg0: i32) -> (i32, i32) {
    %c0_i32 = arith.constant 0 : i32
    %c0_i32_0 = arith.constant 0 : i32
    %c0_i32_1 = arith.constant 0 : i32
    return %c0_i32, %c0_i32_0 : i32, i32
  }
  func.func @transform_2(%arg0: i32) -> (i32, i32) {
    %c0_i32 = arith.constant 0 : i32
    %c0_i32_0 = arith.constant 0 : i32
    %c0_i32_1 = arith.constant 0 : i32
    return %c0_i32, %c0_i32_0 : i32, i32
  }
  func.func @transform_3(%arg0: i32) -> (i32, i32) {
    %c0_i32 = arith.constant 0 : i32
    %c0_i32_0 = arith.constant 0 : i32
    %c0_i32_1 = arith.constant 0 : i32
    return %c0_i32, %c0_i32_0 : i32, i32
  }
  func.func @transform_4(%arg0: i32) -> (i32, i32) {
    %c0_i32 = arith.constant 0 : i32
    %c0_i32_0 = arith.constant 0 : i32
    %c0_i32_1 = arith.constant 0 : i32
    return %c0_i32, %c0_i32_0 : i32, i32
  }
  func.func @transform_5(%arg0: i32) -> (i32, i32) {
    %c0_i32 = arith.constant 0 : i32
    %c0_i32_0 = arith.constant 0 : i32
    %c0_i32_1 = arith.constant 0 : i32
    return %c0_i32, %c0_i32_0 : i32, i32
  }
  func.func @transform_6(%arg0: i32) -> (i32, i32) {
    %c0_i32 = arith.constant 0 : i32
    %c0_i32_0 = arith.constant 0 : i32
    %c0_i32_1 = arith.constant 0 : i32
    return %c0_i32, %c0_i32_0 : i32, i32
  }
  func.func @transform_7(%arg0: i32) -> (i32, i32) {
    %c0_i32 = arith.constant 0 : i32
    %c0_i32_0 = arith.constant 0 : i32
    %c0_i32_1 = arith.constant 0 : i32
    return %c0_i32, %c0_i32_0 : i32, i32
  }
  func.func @transform_8(%arg0: i32) -> (i32, i32) {
    %c0_i32 = arith.constant 0 : i32
    %c0_i32_0 = arith.constant 0 : i32
    return %arg0, %c0_i32 : i32, i32
  }
  func.func @transform_9(%arg0: i32) -> (i32, i32) {
    %c0_i32 = arith.constant 0 : i32
    %c0_i32_0 = arith.constant 0 : i32
    return %arg0, %c0_i32 : i32, i32
  }
}

module attributes {stable_mosaic.version = 14 : i64} {
  func.func @_dec_body(%arg0: i32, %arg1: memref<512x32xf32, #tpu.memory_space<vmem>>, %arg2: memref<512x32xf32, #tpu.memory_space<vmem>>, %arg3: memref<32x1024xf32, #tpu.memory_space<vmem>>, %arg4: memref<1x1024xf32, #tpu.memory_space<vmem>>, %arg5: memref<1024x1024xf32, #tpu.memory_space<vmem>>, %arg6: memref<1x1024xf32, #tpu.memory_space<vmem>>, %arg7: memref<1024x784xf32, #tpu.memory_space<vmem>>, %arg8: memref<784x1xf32, #tpu.memory_space<vmem>>, %arg9: memref<784x512xf32, #tpu.memory_space<vmem>>, %arg10: memref<1x1xf32, #tpu.memory_space<vmem>>) attributes {dimension_semantics = [#tpu.dimension_semantics<arbitrary>], iteration_bounds = array<i64: 32>, scalar_prefetch = 0 : i64, scratch_operands = 0 : i64, tpu.core_type = #tpu.core_type<tc>, window_params = [{transform_indices = @transform_0, window_bounds = array<i64: 512, 32>}, {transform_indices = @transform_1, window_bounds = array<i64: 512, 32>}, {pipeline_mode = #tpu.pipeline_mode<synchronous>, transform_indices = @transform_2, window_bounds = array<i64: 32, 1024>}, {pipeline_mode = #tpu.pipeline_mode<synchronous>, transform_indices = @transform_3, window_bounds = array<i64: 1, 1024>}, {pipeline_mode = #tpu.pipeline_mode<synchronous>, transform_indices = @transform_4, window_bounds = array<i64: 1024, 1024>}, {pipeline_mode = #tpu.pipeline_mode<synchronous>, transform_indices = @transform_5, window_bounds = array<i64: 1, 1024>}, {pipeline_mode = #tpu.pipeline_mode<synchronous>, transform_indices = @transform_6, window_bounds = array<i64: 1024, 784>}, {pipeline_mode = #tpu.pipeline_mode<synchronous>, transform_indices = @transform_7, window_bounds = array<i64: 784, 1>}, {transform_indices = @transform_8, window_bounds = array<i64: 784, 512>}, {pipeline_mode = #tpu.pipeline_mode<synchronous>, transform_indices = @transform_9, window_bounds = array<i64: 1, 1>}]} {
    %get3A = arith.constant 0 : index
    %get3A_0 = arith.constant 0 : index
    %get3A_1 = vector.load %arg1[%get3A, %get3A_0] : memref<512x32xf32, #tpu.memory_space<vmem>>, vector<512x32xf32>
    %get3A_2 = arith.constant 0 : index
    %get3A_3 = arith.constant 0 : index
    %get3A_4 = vector.load %arg2[%get3A_2, %get3A_3] : memref<512x32xf32, #tpu.memory_space<vmem>>, vector<512x32xf32>
    %sub3A = arith.subf %get3A_1, %get3A_4 : vector<512x32xf32>
    %add3A = arith.addf %get3A_4, %sub3A : vector<512x32xf32>
    %get3A_5 = arith.constant 0 : index
    %get3A_6 = arith.constant 0 : index
    %get3A_7 = vector.load %arg3[%get3A_5, %get3A_6] : memref<32x1024xf32, #tpu.memory_space<vmem>>, vector<32x1024xf32>
    %dot_general3A = arith.constant dense<0.000000e+00> : vector<512x1024xf32>
    %dot_general3A_8 = tpu.matmul %add3A, %get3A_7, %dot_general3A {dimension_numbers = #tpu.dot_dimension_numbers<[1], [0], [0], [1], [0, 0, 1, 1], [], []>, transpose_lhs_hint = false} : vector<512x32xf32>, vector<32x1024xf32>, vector<512x1024xf32> -> vector<512x1024xf32>
    %get3A_9 = arith.constant 0 : index
    %get3A_10 = arith.constant 0 : index
    %get3A_11 = vector.load %arg4[%get3A_9, %get3A_10] : memref<1x1024xf32, #tpu.memory_space<vmem>>, vector<1x1024xf32>
    %add3A_12 = vector.broadcast %get3A_11 : vector<1x1024xf32> to vector<512x1024xf32>
    %add3A_13 = arith.addf %dot_general3A_8, %add3A_12 : vector<512x1024xf32>
    %max3A = arith.constant 0.000000e+00 : f32
    %max3A_14 = vector.broadcast %max3A : f32 to vector<512x1024xf32>
    %max3A_15 = arith.maximumf %add3A_13, %max3A_14 : vector<512x1024xf32>
    %get3A_16 = arith.constant 0 : index
    %get3A_17 = arith.constant 0 : index
    %get3A_18 = vector.load %arg5[%get3A_16, %get3A_17] : memref<1024x1024xf32, #tpu.memory_space<vmem>>, vector<1024x1024xf32>
    %dot_general3A_19 = arith.constant dense<0.000000e+00> : vector<512x1024xf32>
    %dot_general3A_20 = tpu.matmul %max3A_15, %get3A_18, %dot_general3A_19 {dimension_numbers = #tpu.dot_dimension_numbers<[1], [0], [0], [1], [0, 0, 1, 1], [], []>, transpose_lhs_hint = false} : vector<512x1024xf32>, vector<1024x1024xf32>, vector<512x1024xf32> -> vector<512x1024xf32>
    %get3A_21 = arith.constant 0 : index
    %get3A_22 = arith.constant 0 : index
    %get3A_23 = vector.load %arg6[%get3A_21, %get3A_22] : memref<1x1024xf32, #tpu.memory_space<vmem>>, vector<1x1024xf32>
    %add3A_24 = vector.broadcast %get3A_23 : vector<1x1024xf32> to vector<512x1024xf32>
    %add3A_25 = arith.addf %dot_general3A_20, %add3A_24 : vector<512x1024xf32>
    %max3A_26 = arith.constant 0.000000e+00 : f32
    %max3A_27 = vector.broadcast %max3A_26 : f32 to vector<512x1024xf32>
    %max3A_28 = arith.maximumf %add3A_25, %max3A_27 : vector<512x1024xf32>
    %get3A_29 = arith.constant 0 : index
    %get3A_30 = arith.constant 0 : index
    %get3A_31 = vector.load %arg7[%get3A_29, %get3A_30] : memref<1024x784xf32, #tpu.memory_space<vmem>>, vector<1024x784xf32>
    %dot_general3A_32 = arith.constant dense<0.000000e+00> : vector<784x512xf32>
    %dot_general3A_33 = tpu.matmul %get3A_31, %max3A_28, %dot_general3A_32 {dimension_numbers = #tpu.dot_dimension_numbers<[0], [1], [1], [0], [0, 1, 1, 0], [], []>, transpose_lhs_hint = false} : vector<1024x784xf32>, vector<512x1024xf32>, vector<784x512xf32> -> vector<784x512xf32>
    %get3A_34 = arith.constant 0 : index
    %get3A_35 = arith.constant 0 : index
    %get3A_36 = vector.load %arg8[%get3A_34, %get3A_35] : memref<784x1xf32, #tpu.memory_space<vmem>>, vector<784x1xf32>
    %add3A_37 = vector.broadcast %get3A_36 : vector<784x1xf32> to vector<784x512xf32>
    %add3A_38 = arith.addf %dot_general3A_33, %add3A_37 : vector<784x512xf32>
    %neg3A = arith.constant 0.000000e+00 : f32
    %neg3A_39 = vector.broadcast %neg3A : f32 to vector<784x512xf32>
    %neg3A_40 = arith.subf %neg3A_39, %add3A_38 : vector<784x512xf32>
    %exp3A = math.exp %neg3A_40 : vector<784x512xf32>
    %add3A_41 = arith.constant 1.000000e+00 : f32
    %add3A_42 = vector.broadcast %add3A_41 : f32 to vector<784x512xf32>
    %add3A_43 = arith.addf %add3A_42, %exp3A : vector<784x512xf32>
    %div3A = arith.constant 1.000000e+00 : f32
    %div3A_44 = vector.broadcast %div3A : f32 to vector<784x512xf32>
    %div3A_45 = arith.divf %div3A_44, %add3A_43 : vector<784x512xf32>
    %swap3A = arith.constant 0 : index
    %swap3A_46 = arith.constant 0 : index
    %swap3A_47 = vector.load %arg9[%swap3A, %swap3A_46] : memref<784x512xf32, #tpu.memory_space<vmem>>, vector<784x512xf32>
    tpu.vector_store %arg9[%swap3A, %swap3A_46], %div3A_45 {strides = array<i32>} : memref<784x512xf32, #tpu.memory_space<vmem>>, vector<784x512xf32>,
    %sub3A_48 = arith.subf %get3A_1, %get3A_4 : vector<512x32xf32>
    %integer_pow3A = arith.mulf %sub3A_48, %sub3A_48 : vector<512x32xf32>
    %reduce_sum3A = vector.shape_cast %integer_pow3A : vector<512x32xf32> to vector<1x512x32xf32>
    %reduce_sum3A_49 = arith.constant dense<0.000000e+00> : vector<1xf32>
    %reduce_sum3A_50 = vector.multi_reduction <add>, %reduce_sum3A, %reduce_sum3A_49 [1, 2] : vector<1x512x32xf32> to vector<1xf32>
    %reduce_sum3A_51 = vector.shape_cast %reduce_sum3A_50 : vector<1xf32> to vector<1x1x1xf32>
    %reduce_sum3A_52 = vector.extract %reduce_sum3A_51[0, 0, 0] : f32 from vector<1x1x1xf32>
    %broadcast_in_dim3A = vector.broadcast %reduce_sum3A_52 : f32 to vector<1x1xf32>
    %eq3A = arith.constant 0 : i32
    %eq3A_53 = arith.cmpi eq, %arg0, %eq3A : i32
    %get3A_54 = arith.constant 0 : index
    %get3A_55 = arith.constant 0 : index
    %get3A_56 = vector.load %arg10[%get3A_54, %get3A_55] : memref<1x1xf32, #tpu.memory_space<vmem>>, vector<1x1xf32>
    %add3A_57 = arith.addf %get3A_56, %broadcast_in_dim3A : vector<1x1xf32>
    %select_n3A = arith.select %eq3A_53, %broadcast_in_dim3A, %add3A_57 : vector<1x1xf32>
    %swap3A_58 = arith.constant 0 : index
    %swap3A_59 = arith.constant 0 : index
    %swap3A_60 = vector.load %arg10[%swap3A_58, %swap3A_59] : memref<1x1xf32, #tpu.memory_space<vmem>>, vector<1x1xf32>
    tpu.vector_store %arg10[%swap3A_58, %swap3A_59], %select_n3A {strides = array<i32>} : memref<1x1xf32, #tpu.memory_space<vmem>>, vector<1x1xf32>,
    return
  }
  func.func @transform_0(%arg0: i32) -> (i32, i32) {
    %c0_i32 = arith.constant 0 : i32
    %c0_i32_0 = arith.constant 0 : i32
    return %arg0, %c0_i32 : i32, i32
  }
  func.func @transform_1(%arg0: i32) -> (i32, i32) {
    %c0_i32 = arith.constant 0 : i32
    %c0_i32_0 = arith.constant 0 : i32
    return %arg0, %c0_i32 : i32, i32
  }
  func.func @transform_2(%arg0: i32) -> (i32, i32) {
    %c0_i32 = arith.constant 0 : i32
    %c0_i32_0 = arith.constant 0 : i32
    %c0_i32_1 = arith.constant 0 : i32
    return %c0_i32, %c0_i32_0 : i32, i32
  }
  func.func @transform_3(%arg0: i32) -> (i32, i32) {
    %c0_i32 = arith.constant 0 : i32
    %c0_i32_0 = arith.constant 0 : i32
    %c0_i32_1 = arith.constant 0 : i32
    return %c0_i32, %c0_i32_0 : i32, i32
  }
  func.func @transform_4(%arg0: i32) -> (i32, i32) {
    %c0_i32 = arith.constant 0 : i32
    %c0_i32_0 = arith.constant 0 : i32
    %c0_i32_1 = arith.constant 0 : i32
    return %c0_i32, %c0_i32_0 : i32, i32
  }
  func.func @transform_5(%arg0: i32) -> (i32, i32) {
    %c0_i32 = arith.constant 0 : i32
    %c0_i32_0 = arith.constant 0 : i32
    %c0_i32_1 = arith.constant 0 : i32
    return %c0_i32, %c0_i32_0 : i32, i32
  }
  func.func @transform_6(%arg0: i32) -> (i32, i32) {
    %c0_i32 = arith.constant 0 : i32
    %c0_i32_0 = arith.constant 0 : i32
    %c0_i32_1 = arith.constant 0 : i32
    return %c0_i32, %c0_i32_0 : i32, i32
  }
  func.func @transform_7(%arg0: i32) -> (i32, i32) {
    %c0_i32 = arith.constant 0 : i32
    %c0_i32_0 = arith.constant 0 : i32
    %c0_i32_1 = arith.constant 0 : i32
    return %c0_i32, %c0_i32_0 : i32, i32
  }
  func.func @transform_8(%arg0: i32) -> (i32, i32) {
    %c0_i32 = arith.constant 0 : i32
    %c0_i32_0 = arith.constant 0 : i32
    return %c0_i32, %arg0 : i32, i32
  }
  func.func @transform_9(%arg0: i32) -> (i32, i32) {
    %c0_i32 = arith.constant 0 : i32
    %c0_i32_0 = arith.constant 0 : i32
    %c0_i32_1 = arith.constant 0 : i32
    return %c0_i32, %c0_i32_0 : i32, i32
  }
}

</mosaic_0001>

<sc_bundles>
// kernel: kernel.5.cloned.1.call-start
scs
__scs_entry_jumppad:
0x0: {  	(pc) =	sbr.rel $0x88, $3  }
0x1: {  	(tag) =	ssettag $0x0;
	lr =	simm.s32 $0x1  }
0x2: {  	[smem:$0x3F93] =	sst lr;
	_ =	strace $0xD0000000  }
0x3: {  	_ = 	snop  }
0x4: {  	_ = 	snop  }
0x5: {  	_ = 	snop  }
0x6: {  	_ = 	snop  }
0x7: {  	_ = 	snop  }
__scs_overlays_trampoline_lowered:
0x8: {  	[smem:$0x3FA2] =	sst s0  }
0x9: {  	[smem:$0x3FA3] =	sst s1  }
0xa: {  	[smem:$0x3FA4] =	sst s2  }
0xb: {  	[smem:$0x3FA5] =	sst s3  }
0xc: {  	[smem:$0x3FA6] =	sst s4  }
0xd: {  	[smem:$0x3FA7] =	sst s5  }
0xe: {  	[smem:$0x3FA8] =	sst s6  }
0xf: {  	[smem:$0x3FA9] =	sst s7  }
0x10: {  	[smem:$0x3FAA] =	sst s8  }
0x11: {  	[smem:$0x3FAB] =	sst s9;
	s0 =	simm.s32 @!p0 $0x0  }
0x12: {  	s1 =	sld [smem:$0x3F91];
	s0 =	simm.s32 @p0 $0x1  }
0x13: {  	[smem:$0x3FAC] =	sst s0;
	s0 =	simm.s32 @!p1 $0x0  }
0x14: {  	s2 =	sld [smem:$0x3F90];
	s0 =	simm.s32 @p1 $0x1  }
0x15: {  	[smem:$0x3FAD] =	sst s0;
	s0 =	simm.s32 @!p2 $0x0  }
0x16: {  	s3 =	sld [smem:$0x3FDB];
	s0 =	simm.s32 @p2 $0x1  }
0x17: {  	s4 =	simm.s32 $0x1BF5;
	[smem:$0x3FAF] =	sst s0  }
0x18: {  	s0 =	sld [smem:$0x3F92];
	_ =	swait.ge [sflag:s4], $0x0  }
0x19: {  	s7 =	sld [smem:$0x3F93]  }
0x1a: {  	s8 =	sadd.s32 $0xFFFFE003, lr  }
0x1b: {  	s9 =	sadd.s32 $0xFFFFFEF7, lr;
	s5 =	simm.s32 $0xFFFFFFFF;
	p2 =	slt.u32 s8, $0xFFFFF086  }
0x1c: {  	p1 =	slt.u32 s9, $0xF7A;
	s5 =	simm.s32 @!p2 $0x0  }
0x1d: {  	s5 =	simm.s32 @p1 $0x1;
	p0 =	seq.s32 s7, s2  }
0x1e: {  	s7 =	smul.u32 @!p0 $0xF7A, s2;
	p2 =	seq.s32 @!p0 s5, $0x0  }
0x1f: {  	s9 =	smul.u32 $0xF7A, s1;
	s8 =	simm.s32 @!p0 $0x1BF5;
	p2 =	por !p2, p0  }
0x20: {  	[sflag:s8] =	ssyncset.s32 @!p0 $0xFFFFF086;
	s6 =	sadd.s32 @!p0 s3, s7;
	s7 =	simm.s32 @!p0 $0x108  }
0x21: {  	s3 =	sadd.s32 s3, s9;
	s6 =	sadd.s32 @!p0 $0x88, s6;
	s7 =	simm.s32 @p2 $0x1082  }
0x22: {  	[simem:s7], [sflag:s8] =	dma.local @!p0 [hbm:s6], $0xF7A  }
0x23: {  	s9 =	sor.u32 $0xD0000000, s2;
	s6 =	simm.s32 $0x108;
	_ =	swait.ge @!p0 [sflag:s8], $0x0  }
0x24: {  	s3 =	sadd.s32 $0x88, s3;
	s6 =	simm.s32 @!p1 $0x1082;
	[sflag:s4] =	ssyncset.s32 $0xFFFFF086  }
0x25: {  	[simem:s6], [sflag:s4] =	dma.local [hbm:s3], $0xF7A  }
0x26: {  	[smem:$0x3F93] =	sst s1;
	(tag) =	ssettag s2;
	_ =	strace s9  }
0x27: {  	s1 =	sld [smem:$0x3FA3]  }
0x28: {  	s2 =	sld [smem:$0x3FA4]  }
0x29: {  	s4 =	sld [smem:$0x3FA6]  }
0x2a: {  	p0 =	seq.s32 s5, $0x0;
	s5 =	sld [smem:$0x3FA7]  }
0x2b: {  	s6 =	sld [smem:$0x3FA8]  }
0x2c: {  	s7 =	sld [smem:$0x3FA9]  }
0x2d: {  	s3 =	simm.s32 $0x108;
	s8 =	sld [smem:$0x3FAA]  }
0x2e: {  	s3 =	simm.s32 @!p0 $0x1082;
	s9 =	sld [smem:$0x3FAB]  }
0x2f: {  	lr =	sadd.s32 s0, s3;
	s0 =	sld [smem:$0x3FA2]  }
0x30: {  	s3 =	sld [smem:$0x3FA5]  }
0x31: {  	[smem:$0x3FAE] =	sst s10  }
0x32: {  	s10 =	sld [smem:$0x3FAC];
	_ =	sdelay $0x3  }
0x33: {  	p0 =	seq.s32 s10, $0x1;
	s10 =	sld [smem:$0x3FAE];
	_ =	sdelay $0x3  }
0x34: {  	[smem:$0x3FAE] =	sst s10  }
0x35: {  	s10 =	sld [smem:$0x3FAD];
	_ =	sdelay $0x3  }
0x36: {  	p1 =	seq.s32 s10, $0x1;
	s10 =	sld [smem:$0x3FAE];
	_ =	sdelay $0x3  }
0x37: {  	[smem:$0x3FAE] =	sst s10  }
0x38: {  	s10 =	sld [smem:$0x3FAF]  }
0x39: {  	_ = 	snop;
	(pc) =	sbr.ind lr, $3  }
0x3a: {  	_ = 	snop  }
0x3b: {  	_ = 	snop  }
0x3c: {  	p2 =	seq.s32 s10, $0x1;
	s10 =	sld [smem:$0x3FAE]  }
0x3d: {  	_ =	shalt  }
0x3e: {  	_ =	shalt  }
0x3f: {  	_ =	shalt  }
0x40: {  	_ =	shalt  }
0x41: {  	_ =	shalt  }
0x42: {  	_ =	shalt  }
0x43: {  	_ =	shalt  }
0x44: {  	_ =	shalt  }
0x45: {  	_ =	shalt  }
0x46: {  	_ =	shalt  }
0x47: {  	_ =	shalt  }
0x48: {  	_ =	shalt  }
0x49: {  	_ =	shalt  }
0x4a: {  	_ =	shalt  }
0x4b: {  	_ =	shalt  }
0x4c: {  	_ =	shalt  }
0x4d: {  	_ =	shalt  }
0x4e: {  	_ =	shalt  }
0x4f: {  	_ =	shalt  }
0x50: {  	_ =	shalt  }
0x51: {  	_ =	shalt  }
0x52: {  	_ =	shalt  }
0x53: {  	_ =	shalt  }
0x54: {  	_ =	shalt  }
0x55: {  	_ =	shalt  }
0x56: {  	_ =	shalt  }
0x57: {  	_ =	shalt  }
0x58: {  	_ =	shalt  }
0x59: {  	_ =	shalt  }
0x5a: {  	_ =	shalt  }
0x5b: {  	_ =	shalt  }
0x5c: {  	_ =	shalt  }
0x5d: {  	_ =	shalt  }
0x5e: {  	_ =	shalt  }
0x5f: {  	_ =	shalt  }
0x60: {  	_ =	shalt  }
0x61: {  	_ =	shalt  }
0x62: {  	_ =	shalt  }
0x63: {  	_ =	shalt  }
0x64: {  	_ =	shalt  }
0x65: {  	_ =	shalt  }
0x66: {  	_ =	shalt  }
0x67: {  	_ =	shalt  }
0x68: {  	_ =	shalt  }
0x69: {  	_ =	shalt  }
0x6a: {  	_ =	shalt  }
0x6b: {  	_ =	shalt  }
0x6c: {  	_ =	shalt  }
0x6d: {  	_ =	shalt  }
0x6e: {  	_ =	shalt  }
0x6f: {  	_ =	shalt  }
0x70: {  	_ =	shalt  }
0x71: {  	_ =	shalt  }
0x72: {  	_ =	shalt  }
0x73: {  	_ =	shalt  }
0x74: {  	_ =	shalt  }
0x75: {  	_ =	shalt  }
0x76: {  	_ =	shalt  }
0x77: {  	_ =	shalt  }
0x78: {  	_ =	shalt  }
0x79: {  	_ =	shalt  }
0x7a: {  	_ =	shalt  }
0x7b: {  	_ =	shalt  }
0x7c: {  	_ =	shalt  }
0x7d: {  	_ =	shalt  }
0x7e: {  	_ =	shalt  }
0x7f: {  	_ =	shalt  }
0x80: {  	_ =	shalt  }
0x81: {  	_ =	shalt  }
0x82: {  	_ =	shalt  }
0x83: {  	_ =	shalt  }
0x84: {  	_ =	shalt  }
0x85: {  	_ =	shalt  }
0x86: {  	_ =	shalt  }
0x87: {  	_ =	shalt  }
.Lfunc_end0:
.L_simem_size_0:
called_computation_lowered:
.L_overlay_start_0:
0x88: {  	s2 =	sld [smem:$0x3FD9]  }
0x89: {  	s3 =	sld [smem:$0x3FFE];
	_ =	sdelay $0x1  }
0x8a: {  	s1 =	srdreg.scid  }
0x8b: {  	s0 =	sand.u32 $0x1, s1  }
0x8c: {  	s14 =	sshll.u32 s0, $0xA;
	s2 =	sadd.s32 s3, s2  }
0x8d: {  	s2 =	sadd.s32 s2, s14  }
0x8e: {  	[smem:$0x3FBA] =	sst s2  }
0x8f: {  	_ = 	snop  }
0x90: {  	s2 =	sld [smem:$0x3FD0];
	_ =	sdelay $0x2  }
0x91: {  	s15 =	simm.s32 $0xA;
	s4 =	simm.s32 $0x10  }
0x92: {  	[smem:s4], [sflag:s15] =	dma.local [hbm:s2], $0x1  }
0x93: {  	_ =	swait.eq [sflag:s15], $0x1  }
0x94: {  	[sflag:s15] =	ssyncset.done $0x0  }
0x95: {  	[sflag:s15] =	ssyncadd.s32 $0xFFFFFFFF  }
0x96: {  	s16 =	sld [smem:$0x10];
	(tm) =	ssettm $0x1  }
0x97: {  	s17 =	sld [smem:$0x3FFB];
	_ =	sdelay $0x3  }
0x98: {  	_ =	strace s17  }
0x99: {  	s3 =	sld [smem:$0x3FFC];
	_ =	sdelay $0x3  }
0x9a: {  	_ =	strace s3  }
0x9b: {  	s3 =	sld [smem:$0x3FFD];
	_ =	sdelay $0x3  }
0x9c: {  	_ =	strace s3  }
0x9d: {  	_ =	strace $0x8FFFFFFF  }
0x9e: {  	s18 =	sld [smem:$0x3FDB];
	_ =	sdelay $0x1  }
0x9f: {  	s19 =	simm.s32 $_scs_section_size  }
0xa0: {  	s5 =	simm.s32 $_size__tile_overlayer_lowered;
	s6 =	simm.s32 $_tile_overlayer_lowered  }
0xa1: {  	s22 =	simm.s32 $0x1BFF;
	s21 =	sshll.u32 s6, $0x1;
	s3 =	sadd.s32 s19, s18  }
0xa2: {  	s7 =	simm.s32 $0x0;
	s20 =	sshll.u32 s5, $0x1;
	s5 =	sadd.s32 s21, s3  }
0xa3: {  	[timem:s7], [sflag:s22] =	dma.local [hbm:s5], s20  }
0xa4: {  	_ =	swait.ge [sflag:s22], s20  }
0xa5: {  	s4 =	ssub.s32 $0x0, s20;
	[sflag:s22] =	ssyncset.done $0x0  }
0xa6: {  	[sflag:s22] =	ssyncadd.s32 s4;
	_ =	sdelay $0x1  }
0xa7: {  	s23 =	simm.s32 $0x1B8B  }
0xa8: {  	_ =	swait.ge [sflag:s23], $0x1  }
0xa9: {  	[sflag:s23] =	ssyncset.done $0x0  }
0xaa: {  	s25 =	simm.s32 $0x1B8E;
	s24 =	sld [smem:$0x3FFE];
	[sflag:s23] =	ssyncadd.s32 $0xFFFFFFFF  }
0xab: {  	s26 =	simm.s32 $execute0_lowered;
	[smem:$0x3FD2] =	sst s25  }
0xac: {  	s5 =	sshll.u32 s26, $0x1;
	_ =	strace $0x80000046;
	[dreg:$0x1] =	wrdreg $0xFFFFFFFF  }
0xad: {  	s28 =	simm.s32 $_size_execute0_lowered;
	s3 =	sadd.s32 s3, s5;
	[dreg:$0x0] =	wrdreg $0x0  }
0xae: {  	s5 =	sshll.u32 s28, $0x1;
	[dreg:$0x2] =	wrdreg s3  }
0xaf: {  	[dreg:$0x3] =	wrdreg s5  }
0xb0: {  	[dreg:$0x4] =	wrdreg $0xC0  }
0xb1: {  	_ =	task [dreg:s7], $0x5FFFF  }
0xb2: {  	[dreg:$0x1] =	wrdreg $0xFFFFFFFF  }
0xb3: {  	[dreg:$0x0] =	wrdreg $0x60  }
0xb4: {  	[dreg:$0x2] =	wrdreg s24  }
0xb5: {  	[dreg:$0x3] =	wrdreg s16  }
0xb6: {  	[dreg:$0x4] =	wrdreg $0x42000  }
0xb7: {  	[dreg:$0x5] =	wrdreg $0x9  }
0xb8: {  	_ =	task.clear_ibuf [dreg:s7], $0x6FFFF;
	_ =	strace $0x90000046  }
0xb9: {  	s29 =	simm.s32 $0x9;
	_ =	strace $0x80000048  }
0xba: {  	_ =	swait.ge [sflag:s29], $0x1  }
0xbb: {  	[sflag:s29] =	ssyncadd.s32 $0xFFFFFFFF  }
0xbc: {  	_ =	strace $0x90000048  }
0xbd: {  	_ =	sfence  }
0xbe: {  	s30 =	sld [smem:$0x0];
	_ =	sdelay $0x2  }
0xbf: {  	s31 =	sshll.u32 s1, $0xD;
	s1 =	sshrl.u32 s1, $0x2  }
0xc0: {  	s3 =	sand.u32 $0x4000, s31;
	s1 =	sadd.s32 s1, s30  }
0xc1: {  	s0 =	sor.u32 s3, s0;
	s1 =	sshll.u32 s1, $0x11  }
0xc2: {  	s0 =	sor.u32 s1, s0  }
0xc3: {  	s0 =	sadd.s32 $0x8F2B, s0  }
0xc4: {  	[sflag:s0] =	ssyncadd.remote.s32 $0x1  }
0xc5: {  	_ =	sfence.sel $0xFFFF  }
0xc6: {  	[dreg:$0x0] =	wrdreg $0xFFFFFFFF;
	(pc) =	sbr.abs _section_cstart, $3  }
0xc7: {  	[dreg:$0x1] =	wrdreg $0xFFFFFFFF  }
0xc8: {  	_ =	task.clear_ibuf [dreg:s7], $0x2FFFF;
	_ =	strace $0x9FFFFFFF  }
0xc9: {  	(tm) =	ssettm $0x7FFFFFFF  }
tec
execute0_lowered:
.L_overlay_start_1:
0x0: {  	(tag) =	ssettag $0x1  }
0x1: {  	s8 =	rddreg [dreg:$0x0]  }
0x2: {  	s17 =	rddreg [dreg:$0x1]  }
0x3: {  	s1 =	rddreg [dreg:$0x2]  }
0x4: {  	s0 =	rddreg [dreg:$0x3]  }
0x5: {  	s3 =	simm.s32 $0x0;
	s4 =	srdreg.scid;
	s2 =	stileid.u32  }
0x6: {  	[smem:$0x7FF] =	sst s3;
	s18 =	sand.u32 $0x1, s4;
	s28 =	sshll.u32 s2, $0xB  }
0x7: {  	s5 =	sshll.u32 s2, $0xA;
	s29 =	sshll.u32 s2, $0xE;
	s31 =	sshll.u32 s2, $0x6  }
0x8: {  	_ =	strace $0x80000047;
	s6 =	sshll.u32 s18, $0x9;
	s4 =	sadd.s32 s28, s8  }
0x9: {  	s30 =	sadd.s32 s29, s1;
	s19 =	sor.u32 s6, s5;
	s4 =	sadd.s32 $0x1C00, s4  }
0xa: {  	s5 =	sor.u32 $0x1C02, s31;
	s7 =	sshrl.u32 s30, $0x3;
	s6 =	simm.s32 $0x2  }
0xb: {  	[spmem:s7], [sflag:s5] =	dma.local [hbm:s4], $0x800  }
0xc: {  	s9 =	sshrl.u32 s19, $0x3;
	_ =	swait.ge [sflag:s6], $0x800  }
0xd: {  	s8 =	sadd.s32 s9, s8;
	[sflag:s6] =	ssyncset.done $0x0  }
0xe: {  	s8 =	sadd.s32 $0x49C00, s8;
	[sflag:s6] =	ssyncadd.s32 $0xFFFFF800  }
0xf: {  	[tilespmem:s3], [sflag:$0x2] =	stream.linear.gather [hbm4b:s8+s3], $0x200, $0x38;
	[tilespmem:$0x8200] =	vst v63  }
0x10: {  	_ =	swait.ge [sflag:s6], $0x200  }
0x11: {  	[sflag:s6] =	ssyncset.done $0x0  }
0x12: {  	[sflag:s6] =	ssyncadd.s32 $0xFFFFFE00  }
0x13: {  	s10 =	simm.s32 $0x200;
	s9 =	simm.s32 $0x80;
	[bflag:$0x0] =	sbarrier.arrive $0xFFFF  }
0x14: {  	[tilespmem:s10], [sflag:$0x1] =	stream.indirect.gather [spmem:s1], $0x20, s3, s9, $0xb8;
	[tilespmem:$0x8200] =	vst v63  }
0x15: {  	s11 =	simm.s32 $0x1200  }
0x16: {  	[tilespmem:s11], [sflag:$0x1] =	stream.indirect.gather [spmem:s1], $0x20, s9, s9, $0xb8;
	[tilespmem:$0x8200] =	vst v63  }
0x17: {  	s12 =	simm.s32 $0x100;
	s13 =	simm.s32 $0x2200  }
0x18: {  	[tilespmem:s13], [sflag:$0x1] =	stream.indirect.gather [spmem:s1], $0x20, s12, s9, $0xb8;
	[tilespmem:$0x8200] =	vst v63  }
0x19: {  	s14 =	simm.s32 $0x180;
	s15 =	simm.s32 $0x3200;
	s16 =	simm.s32 $0x1  }
0x1a: {  	[tilespmem:s15], [sflag:$0x1] =	stream.indirect.gather [spmem:s1], $0x20, s14, s9, $0xb8;
	[tilespmem:$0x8200] =	vst v63  }
0x1b: {  	_ =	swait.ge [sflag:s16], $0x1000  }
0x1c: {  	[sflag:s16] =	ssyncset.done $0x0  }
0x1d: {  	[sflag:s16] =	ssyncadd.s32 $0xFFFFF000  }
0x1e: {  	_ =	swait.ge [sflag:s16], $0x1000  }
0x1f: {  	[sflag:s16] =	ssyncset.done $0x0  }
0x20: {  	s18 =	ssub.s32 $0x2, s18;
	[sflag:s16] =	ssyncadd.s32 $0xFFFFF000  }
0x21: {  	s20 =	sshrl.u32 s18, $0x1;
	_ =	swait.ge [sflag:s16], $0x1000  }
0x22: {  	s18 =	ssub.s32 s18, s20;
	[sflag:s16] =	ssyncset.done $0x0  }
0x23: {  	s18 =	smax.u32 s18, $0x1;
	[sflag:s16] =	ssyncadd.s32 $0xFFFFF000  }
0x24: {  	p0 =	sne.s32 s18, $0x1;
	_ =	swait.ge [sflag:s16], $0x1000  }
.Ltmp0:
0x25: {  	s19 =	sshll.u32 s19, $0x2;
	[sflag:s16] =	ssyncset.done $0x0;
	(pc) =	sbr.rel @!p0 .LBB2_2-.Ltmp0, $4  }
0x26: {  	s17 =	sadd.s32 s17, s19;
	[sflag:s16] =	ssyncadd.s32 $0xFFFFF000  }
0x27: {  	[hbm4b:s17+s3] =	stream.linear.scatter [tilespmem:s10], [sflag:$0x2], $0x4000, $0x38;
	[tilespmem:$0x8200] =	vst v63  }
0x28: {  	_ =	swait.ge [sflag:s6], $0x4000  }
0x29: {  	s18 =	sadd.s32 $0xFFFFFFFF, s18;
	[sflag:s6] =	ssyncset.done $0x0  }
.LBB2_1:
0x2a: {  	p0 =	sne.s32 s18, $0x1;
	s18 =	sadd.s32 $0xFFFFFFFF, s18;
	[sflag:s6] =	ssyncadd.s32 $0xFFFFC000  }
0x2b: {  	[spmem:s7], [sflag:s5] =	dma.local [hbm:s4], $0x800  }
0x2c: {  	_ =	swait.ge [sflag:s6], $0x800  }
0x2d: {  	[sflag:s6] =	ssyncset.done $0x0  }
0x2e: {  	[sflag:s6] =	ssyncadd.s32 $0xFFFFF800  }
0x2f: {  	[tilespmem:s3], [sflag:$0x2] =	stream.linear.gather [hbm4b:s8+s3], $0x200, $0x38;
	[tilespmem:$0x8200] =	vst v63  }
0x30: {  	_ =	swait.ge [sflag:s6], $0x200  }
0x31: {  	[sflag:s6] =	ssyncset.done $0x0  }
0x32: {  	[sflag:s6] =	ssyncadd.s32 $0xFFFFFE00  }
0x33: {  	[bflag:$0x0] =	sbarrier.arrive $0xFFFF  }
0x34: {  	[tilespmem:s10], [sflag:$0x1] =	stream.indirect.gather [spmem:s1], $0x20, s3, s9, $0xb8;
	[tilespmem:$0x8200] =	vst v63  }
0x35: {  	_ = 	snop  }
0x36: {  	[tilespmem:s11], [sflag:$0x1] =	stream.indirect.gather [spmem:s1], $0x20, s9, s9, $0xb8;
	[tilespmem:$0x8200] =	vst v63  }
0x37: {  	_ = 	snop  }
0x38: {  	[tilespmem:s13], [sflag:$0x1] =	stream.indirect.gather [spmem:s1], $0x20, s12, s9, $0xb8;
	[tilespmem:$0x8200] =	vst v63  }
0x39: {  	_ = 	snop  }
0x3a: {  	[tilespmem:s15], [sflag:$0x1] =	stream.indirect.gather [spmem:s1], $0x20, s14, s9, $0xb8;
	[tilespmem:$0x8200] =	vst v63  }
0x3b: {  	_ =	swait.ge [sflag:s16], $0x1000  }
0x3c: {  	[sflag:s16] =	ssyncset.done $0x0  }
0x3d: {  	[sflag:s16] =	ssyncadd.s32 $0xFFFFF000  }
0x3e: {  	_ =	swait.ge [sflag:s16], $0x1000  }
0x3f: {  	[sflag:s16] =	ssyncset.done $0x0  }
0x40: {  	[sflag:s16] =	ssyncadd.s32 $0xFFFFF000  }
0x41: {  	_ =	swait.ge [sflag:s16], $0x1000  }
0x42: {  	[sflag:s16] =	ssyncset.done $0x0  }
0x43: {  	[sflag:s16] =	ssyncadd.s32 $0xFFFFF000  }
0x44: {  	_ =	swait.ge [sflag:s16], $0x1000  }
.Ltmp1:
0x45: {  	[sflag:s16] =	ssyncset.done $0x0;
	(pc) =	sbr.rel @p0 .LBB2_1-.Ltmp1, $4  }
0x46: {  	[sflag:s16] =	ssyncadd.s32 $0xFFFFF000  }
0x47: {  	[hbm4b:s17+s3] =	stream.linear.scatter [tilespmem:s10], [sflag:$0x2], $0x4000, $0x38;
	[tilespmem:$0x8200] =	vst v63  }
0x48: {  	_ =	swait.ge [sflag:s6], $0x4000  }
0x49: {  	[sflag:s6] =	ssyncset.done $0x0  }
.LBB2_2:
0x4a: {  	[sflag:s6] =	ssyncadd.s32 $0xFFFFC000  }
0x4b: {  	_ =	sfence.sel $0x180000  }
0x4c: {  	[bflag:$0x0] =	sbarrier.arrive $0xFFFF  }
0x4d: {  	p0 =	sne.s32 s2, $0x0;
	_ =	strace $0x90000047  }
0x4e: {  	s0 =	sadd.s32 @!p0 $0x100000, s0;
	[bflag:$0x2] =	sbarrier.arrive $0xFFFF  }
0x4f: {  	[sflag:s0] =	ssyncadd.tile.s32 @!p0 $0x1;
	_ =	shalt  }
.Lfunc_end2:
_tile_overlayer_lowered:
.L_overlay_start_2:
0x50: {  	(tag) =	ssettag $0x2  }
0x51: {  	s0 =	rddreg [dreg:$0x0];
	s2 =	stileid.u32  }
0x52: {  	s1 =	rddreg [dreg:$0x1];
	p0 =	sne.s32 s2, $0x0  }
0x53: {  	s3 =	rddreg [dreg:$0x2];
	[bflag:$0x3] =	sbarrier.arrive $0xFFFF;
	s2 =	simm.s32 @!p0 $0x1C02  }
0x54: {  	[timem:s3], [sflag:s2] =	dma.local @!p0 [hbm:s0], s1  }
0x55: {  	s0 =	simm.s32 @!p0 $0x2  }
0x56: {  	_ =	swait.ge @!p0 [sflag:s0], s1  }
0x57: {  	s1 =	ssub.s32 @!p0 $0x0, s1;
	[sflag:s0] =	ssyncset.done @!p0 $0x0  }
0x58: {  	[sflag:s0] =	ssyncadd.s32 @!p0 s1  }
0x59: {  	[bflag:$0x3] =	sbarrier.arrive $0xFFFF  }
0x5a: {  	_ =	shalt  }

</sc_bundles>
